<compile_context>
chip_gen: v7x
topology: tpu7x:2x2x1
jax: 0.10.2.dev20260603
libtpu: 0.0.44.dev20260713+nightly
codegen_flags: <defaults>
</compile_context>

<pallas_src>
import jax
import jax.numpy as jnp
from jax import lax
from jax.experimental import pallas as pl
from jax.experimental.pallas import tpu as pltpu
from jax.experimental.pallas import tpu_sc as plsc

_B, _L, _DY, _DX, _DM = 8, 512, 32, 6, 128
_K = 6
_NC, _NS = 2, 16


_DC = 16

_S0 = 0.99999986216691
_S1 = -0.16666607728014005
_S2 = 0.008332732437814282
_S3 = -0.0001981669232761085
_S4 = 2.708326132222227e-06
_S5 = -2.069597015432612e-08
_INV_2PI = 0.15915494309189535
_2PI_HI = 6.28125
_2PI_LO = 1.9353071795864769e-03


def _fast_sin(a):
    k = jnp.round(a * _INV_2PI)
    r = a - k * _2PI_HI - k * _2PI_LO
    r2 = r * r
    return r * (_S0 + r2 * (_S1 + r2 * (_S2 + r2 * (
        _S3 + r2 * (_S4 + r2 * _S5)))))


def _sc_body(space_hbm, out_hbm, idx_v, buf, sem):
    wid = lax.axis_index("s") * _NC + lax.axis_index("c")
    val = jnp.full((16,), wid, dtype=jnp.int32)
    for j in range(8):
        idx_v[pl.ds(j * 16, 16)] = val
    gathers = [pltpu.async_copy(
        space_hbm.at[idx_v], buf.at[pl.ds(q * 128, 128)], sem)
        for q in range(4)]
    for g in gathers:
        g.wait()
    copies = [pltpu.async_copy(
        buf, out_hbm.at[pl.ds(b * _DY * _L + wid * _L, _L)], sem)
        for b in range(_B)]
    for cp in copies:
        cp.wait()


def _sc_space_emb(space_table):
    run = pl.kernel(
        _sc_body,
        out_type=jax.ShapeDtypeStruct((_B * _DY * _L, _DM), jnp.float32),
        mesh=plsc.VectorSubcoreMesh(core_axis_name="c", subcore_axis_name="s"),
        scratch_types=[
            pltpu.VMEM((128,), jnp.int32),
            pltpu.VMEM((_L, _DM), jnp.float32),
            pltpu.SemaphoreType.DMA,
        ],
    )
    return run(space_table)


def _tc_body(x_ref, y4_ref, t2vw_ref, t2vb_ref, local_ref, vtw_ref, vtb_ref,
             given_ref, out1_ref, out3_ref, base_ref):
    c = pl.program_id(1)

    @pl.when(c == 0)
    def _compute_base():
        xs = x_ref[0]
        xs = jnp.where(jnp.isnan(xs), 0.0, xs)
        aff = xs * t2vw_ref[...] + t2vb_ref[...]
        col = lax.broadcasted_iota(jnp.int32, aff.shape, 1)
        te = jnp.where(col % _K == 0, aff, _fast_sin(aff))
        base_ref[...] = (local_ref[...] + vtb_ref[...] + given_ref[1:2, :]
                         + jnp.dot(te, vtw_ref[0:_DX * _K, :],
                                   preferred_element_type=jnp.float32))

    w_y = vtw_ref[_DX * _K:_DX * _K + 1, :]
    delta = given_ref[0:1, :] - given_ref[1:2, :]
    base = base_ref[...]
    for j in range(_DC):
        yc = y4_ref[0, j]
        nan = jnp.isnan(yc)
        ycc = jnp.where(nan, 0.0, yc)
        out1_ref[0, j * _L:(j + 1) * _L, :] = (
            base + ycc * w_y + jnp.where(nan, 1.0, 0.0) * delta)
        out3_ref[j] = jnp.full((1, _L), c * _DC + j, dtype=jnp.int32)


def kernel(x, y, t2v_w, t2v_b, local_table, vt_w, vt_b, space_table,
           given_table):
    return _sc_space_emb(space_table).reshape(_B, _DY * _L, _DM)


def _full_kernel(x, y, t2v_w, t2v_b, local_table, vt_w, vt_b, space_table,
                 given_table):
    batch, length, dy = y.shape
    x36 = jnp.repeat(x.reshape(batch, length, _DX), _K, axis=-1)
    wflat = t2v_w.reshape(1, _DX * _K)
    bflat = t2v_b.reshape(1, _DX * _K)
    y4 = jnp.transpose(y, (0, 2, 1)).reshape(batch, dy, length, 1)
    vtb2 = vt_b.reshape(1, _DM)

    out2 = _sc_space_emb(space_table).reshape(batch, dy * length, _DM)

    nc = dy // _DC
    grid = (batch, nc)
    out1, out3 = pl.pallas_call(
        _tc_body,
        grid=grid,
        in_specs=[
            pl.BlockSpec((1, length, _DX * _K), lambda b, c: (b, 0, 0)),
            pl.BlockSpec((1, _DC, length, 1), lambda b, c: (b, c, 0, 0)),
            pl.BlockSpec((1, _DX * _K), lambda b, c: (0, 0)),
            pl.BlockSpec((1, _DX * _K), lambda b, c: (0, 0)),
            pl.BlockSpec((length, _DM), lambda b, c: (0, 0)),
            pl.BlockSpec((_DX * _K + 1, _DM), lambda b, c: (0, 0)),
            pl.BlockSpec((1, _DM), lambda b, c: (0, 0)),
            pl.BlockSpec((2, _DM), lambda b, c: (0, 0)),
        ],
        out_specs=[
            pl.BlockSpec((1, _DC * length, _DM), lambda b, c: (b, c, 0)),
            pl.BlockSpec((_DC, 1, length), lambda b, c: (b * nc + c, 0, 0)),
        ],
        out_shape=[
            jax.ShapeDtypeStruct((batch, dy * length, _DM), jnp.float32),
            jax.ShapeDtypeStruct((batch * dy, 1, length), jnp.int32),
        ],
        scratch_shapes=[pltpu.VMEM((length, _DM), jnp.float32)],
        compiler_params=pltpu.CompilerParams(
            dimension_semantics=("arbitrary", "arbitrary")),
    )(x36, y4, wflat, bflat, local_table[:length], vt_w, vtb2,
      given_table)

    return (out1, out2, out3.reshape(batch, dy * length))

# --- scband reference (transcript-rebuilt; emitter-appended) ---
"""Pipeline reference for scband-embedding-28707561407196 (READ-ONLY COPY).

The authoritative reference and input builder live on the scoring server;
editing this copy changes nothing except your own understanding.
"""

import jax, jax.numpy as jnp
import numpy as np

BATCH = 8
LENGTH = 512
D_Y = 32
D_X = 6
D_MODEL = 128
TIME_EMB_DIM = 6
TIME_DIM = TIME_EMB_DIM * D_X
MAX_SEQ_LEN = 2048


def setup_inputs(seed: int = 0) -> dict:
    key = jax.random.key(seed)
    ks = jax.random.split(key, 9)
    x = jax.random.normal(ks[0], (BATCH, LENGTH, 1, D_X), dtype=jnp.float32)
    y = jax.random.normal(ks[1], (BATCH, LENGTH, D_Y), dtype=jnp.float32)
    t2v_w = jax.random.normal(ks[2], (D_X, TIME_EMB_DIM), dtype=jnp.float32)
    t2v_b = jax.random.normal(ks[3], (D_X, TIME_EMB_DIM), dtype=jnp.float32)
    local_table = jax.random.normal(ks[4], (MAX_SEQ_LEN, D_MODEL), dtype=jnp.float32)
    vt_w = jax.random.normal(ks[5], (TIME_DIM + 1, D_MODEL), dtype=jnp.float32) * 0.05
    vt_b = jax.random.normal(ks[6], (D_MODEL,), dtype=jnp.float32) * 0.05
    space_table = jax.random.normal(ks[7], (D_Y, D_MODEL), dtype=jnp.float32)
    given_table = jax.random.normal(ks[8], (2, D_MODEL), dtype=jnp.float32)
    return {"x": x, "y": y, "t2v_w": t2v_w, "t2v_b": t2v_b,
            "local_table": local_table, "vt_w": vt_w, "vt_b": vt_b,
            "space_table": space_table, "given_table": given_table}


def _time2vec(x, w, b):
    # x: (batch, L, 1, d_x); torch: diag_embed -> matmul -> split -> sin -> cat -> view(b, L, -1)
    dx = x.shape[-1]
    diag = x[..., None] * jnp.eye(dx, dtype=x.dtype)  # (b, L, 1, dx, dx)
    aff = jnp.matmul(diag, w) + b                      # (b, L, 1, dx, k)
    a0 = aff[..., :1]
    arest = jnp.sin(aff[..., 1:])
    out = jnp.concatenate([a0, arest], axis=-1)
    return out.reshape(out.shape[0], out.shape[1], -1)  # (b, L, dx*k) since map dim == 1


def reference(x, y, t2v_w, t2v_b, local_table, vt_w, vt_b, space_table, given_table):
    batch, length, dy = y.shape
    # local positions: repeat(arange(length), 'length -> batch (dy length)')
    local_pos = jnp.broadcast_to(jnp.tile(jnp.arange(length), dy), (batch, dy * length))
    local_emb = local_table[local_pos]  # abs positional embedding gather
    x = jnp.nan_to_num(x)
    # repeat(x, 'batch len map x_dim -> batch (dy len) map x_dim')  (dy outer)
    x_rep = jnp.tile(x, (1, dy, 1, 1))
    time_emb = _time2vec(x_rep, t2v_w, t2v_b)  # (b, dy*len, TIME_DIM)
    true_null = jnp.isnan(y)
    y = jnp.nan_to_num(y)
    # Flatten: rearrange(y, 'batch len dy -> batch (dy len) 1')
    y_orig = jnp.transpose(y, (0, 2, 1)).reshape(batch, dy * length, 1)
    y_flat = y_orig  # data_dropout is None -> identity
    # pad_value is None -> mask is None
    val_time_inp = jnp.concatenate([time_emb, y_flat], axis=-1)
    val_time_emb = jnp.matmul(val_time_inp, vt_w) + vt_b
    # given embedding (is_encoder=True, null_value=None)
    given = jnp.ones((batch, length, dy), dtype=jnp.int32) * (~true_null).astype(jnp.int32)
    given = jnp.transpose(given, (0, 2, 1)).reshape(batch, dy * length)
    given = given * (y_flat == y_orig).squeeze(-1).astype(jnp.int32)
    given_emb = given_table[given]
    val_time_emb = local_emb + val_time_emb + given_emb
    # no downsample convs (downsample_convs=0)
    var_idx = jnp.broadcast_to(jnp.repeat(jnp.arange(dy), length), (batch, dy * length))
    var_idx_true = var_idx
    space_emb = space_table[var_idx]  # use_space=True
    return (val_time_emb, space_emb, var_idx_true)

if __name__ == "__main__":
    import jax
    _d = setup_inputs()
    print(jax.jit(kernel)(*tuple(_d.values())))

</pallas_src>

<mosaic_0001>
#map = affine_map<(d0, d1) -> (0, 0)>
module attributes {stable_mosaic.version = 14 : i64} {
  func.func @_sc_body(%arg0: i32, %arg1: i32, %arg2: memref<32x128xf32, #tpu.memory_space<hbm>>, %arg3: memref<131072x128xf32, #tpu.memory_space<hbm>>, %arg4: memref<128xi32, #tpu.memory_space<vmem>>, %arg5: memref<512x128xf32, #tpu.memory_space<vmem>>, %arg6: memref<!tpu.dma_semaphore, #tpu.memory_space<semaphore_mem>>) attributes {dimension_semantics = [#tpu.dimension_semantics<core_parallel>, #tpu.dimension_semantics<subcore_parallel>], iteration_bounds = array<i64: 2, 16>, scalar_prefetch = 0 : i64, scratch_operands = 3 : i64, tpu.core_type = #tpu.core_type<sc_vector_subcore>, window_params = [{transform_indices = #map}, {transform_indices = #map}]} {
    %mul3A = arith.constant 2 : i32
    %mul3A_0 = arith.muli %arg1, %mul3A : i32
    %add3A = arith.addi %mul3A_0, %arg0 : i32
    %broadcast_in_dim3A = vector.broadcast %add3A : i32 to vector<16xi32>
    %swap3A = arith.constant 0 : index
    %swap3A_1 = tpu.vector_load %arg4[%swap3A] {strides = array<i32>} : memref<128xi32, #tpu.memory_space<vmem>>, vector<16xi32>,
    %swap3A_2 = vector.shape_cast %swap3A_1 : vector<16xi32> to vector<16xi32>
    %swap3A_3 = vector.shape_cast %broadcast_in_dim3A : vector<16xi32> to vector<16xi32>
    tpu.vector_store %arg4[%swap3A], %swap3A_3 {strides = array<i32>} : memref<128xi32, #tpu.memory_space<vmem>>, vector<16xi32>,
    %swap3A_4 = arith.constant 16 : index
    %swap3A_5 = tpu.vector_load %arg4[%swap3A_4] {strides = array<i32>} : memref<128xi32, #tpu.memory_space<vmem>>, vector<16xi32>,
    %swap3A_6 = vector.shape_cast %swap3A_5 : vector<16xi32> to vector<16xi32>
    %swap3A_7 = vector.shape_cast %broadcast_in_dim3A : vector<16xi32> to vector<16xi32>
    tpu.vector_store %arg4[%swap3A_4], %swap3A_7 {strides = array<i32>} : memref<128xi32, #tpu.memory_space<vmem>>, vector<16xi32>,
    %swap3A_8 = arith.constant 32 : index
    %swap3A_9 = tpu.vector_load %arg4[%swap3A_8] {strides = array<i32>} : memref<128xi32, #tpu.memory_space<vmem>>, vector<16xi32>,
    %swap3A_10 = vector.shape_cast %swap3A_9 : vector<16xi32> to vector<16xi32>
    %swap3A_11 = vector.shape_cast %broadcast_in_dim3A : vector<16xi32> to vector<16xi32>
    tpu.vector_store %arg4[%swap3A_8], %swap3A_11 {strides = array<i32>} : memref<128xi32, #tpu.memory_space<vmem>>, vector<16xi32>,
    %swap3A_12 = arith.constant 48 : index
    %swap3A_13 = tpu.vector_load %arg4[%swap3A_12] {strides = array<i32>} : memref<128xi32, #tpu.memory_space<vmem>>, vector<16xi32>,
    %swap3A_14 = vector.shape_cast %swap3A_13 : vector<16xi32> to vector<16xi32>
    %swap3A_15 = vector.shape_cast %broadcast_in_dim3A : vector<16xi32> to vector<16xi32>
    tpu.vector_store %arg4[%swap3A_12], %swap3A_15 {strides = array<i32>} : memref<128xi32, #tpu.memory_space<vmem>>, vector<16xi32>,
    %swap3A_16 = arith.constant 64 : index
    %swap3A_17 = tpu.vector_load %arg4[%swap3A_16] {strides = array<i32>} : memref<128xi32, #tpu.memory_space<vmem>>, vector<16xi32>,
    %swap3A_18 = vector.shape_cast %swap3A_17 : vector<16xi32> to vector<16xi32>
    %swap3A_19 = vector.shape_cast %broadcast_in_dim3A : vector<16xi32> to vector<16xi32>
    tpu.vector_store %arg4[%swap3A_16], %swap3A_19 {strides = array<i32>} : memref<128xi32, #tpu.memory_space<vmem>>, vector<16xi32>,
    %swap3A_20 = arith.constant 80 : index
    %swap3A_21 = tpu.vector_load %arg4[%swap3A_20] {strides = array<i32>} : memref<128xi32, #tpu.memory_space<vmem>>, vector<16xi32>,
    %swap3A_22 = vector.shape_cast %swap3A_21 : vector<16xi32> to vector<16xi32>
    %swap3A_23 = vector.shape_cast %broadcast_in_dim3A : vector<16xi32> to vector<16xi32>
    tpu.vector_store %arg4[%swap3A_20], %swap3A_23 {strides = array<i32>} : memref<128xi32, #tpu.memory_space<vmem>>, vector<16xi32>,
    %swap3A_24 = arith.constant 96 : index
    %swap3A_25 = tpu.vector_load %arg4[%swap3A_24] {strides = array<i32>} : memref<128xi32, #tpu.memory_space<vmem>>, vector<16xi32>,
    %swap3A_26 = vector.shape_cast %swap3A_25 : vector<16xi32> to vector<16xi32>
    %swap3A_27 = vector.shape_cast %broadcast_in_dim3A : vector<16xi32> to vector<16xi32>
    tpu.vector_store %arg4[%swap3A_24], %swap3A_27 {strides = array<i32>} : memref<128xi32, #tpu.memory_space<vmem>>, vector<16xi32>,
    %swap3A_28 = arith.constant 112 : index
    %swap3A_29 = tpu.vector_load %arg4[%swap3A_28] {strides = array<i32>} : memref<128xi32, #tpu.memory_space<vmem>>, vector<16xi32>,
    %swap3A_30 = vector.shape_cast %swap3A_29 : vector<16xi32> to vector<16xi32>
    %swap3A_31 = vector.shape_cast %broadcast_in_dim3A : vector<16xi32> to vector<16xi32>
    tpu.vector_store %arg4[%swap3A_28], %swap3A_31 {strides = array<i32>} : memref<128xi32, #tpu.memory_space<vmem>>, vector<16xi32>,
    %dma_start3A = arith.constant 0 : i32
    %dma_start3A_32 = arith.constant 0 : i32
    %dma_start3A_33 = tpu.memref_slice %arg5[%dma_start3A, %dma_start3A_32] : memref<512x128xf32, #tpu.memory_space<vmem>> -> memref<128x128xf32, #tpu.memory_space<vmem>>
    %dma_start3A_34 = arith.constant 0 : i32
    %dma_start3A_35 = arith.constant 0 : i32
    %dma_start3A_36 = tpu.memref_slice %arg2[%dma_start3A_34, %dma_start3A_35] : memref<32x128xf32, #tpu.memory_space<hbm>> -> memref<32x128xf32, #tpu.memory_space<hbm>>
    tpu.enqueue_indirect_dma source(%dma_start3A_36 : memref<32x128xf32, #tpu.memory_space<hbm>>) target(%dma_start3A_33 : memref<128x128xf32, #tpu.memory_space<vmem>>) offsets(%arg4 : memref<128xi32, #tpu.memory_space<vmem>>) semaphore(%arg6 : memref<!tpu.dma_semaphore, #tpu.memory_space<semaphore_mem>>)
    %dma_start3A_37 = arith.constant 128 : i32
    %dma_start3A_38 = arith.constant 0 : i32
    %dma_start3A_39 = tpu.memref_slice %arg5[%dma_start3A_37, %dma_start3A_38] : memref<512x128xf32, #tpu.memory_space<vmem>> -> memref<128x128xf32, #tpu.memory_space<vmem>>
    %dma_start3A_40 = arith.constant 0 : i32
    %dma_start3A_41 = arith.constant 0 : i32
    %dma_start3A_42 = tpu.memref_slice %arg2[%dma_start3A_40, %dma_start3A_41] : memref<32x128xf32, #tpu.memory_space<hbm>> -> memref<32x128xf32, #tpu.memory_space<hbm>>
    tpu.enqueue_indirect_dma source(%dma_start3A_42 : memref<32x128xf32, #tpu.memory_space<hbm>>) target(%dma_start3A_39 : memref<128x128xf32, #tpu.memory_space<vmem>>) offsets(%arg4 : memref<128xi32, #tpu.memory_space<vmem>>) semaphore(%arg6 : memref<!tpu.dma_semaphore, #tpu.memory_space<semaphore_mem>>)
    %dma_start3A_43 = arith.constant 256 : i32
    %dma_start3A_44 = arith.constant 0 : i32
    %dma_start3A_45 = tpu.memref_slice %arg5[%dma_start3A_43, %dma_start3A_44] : memref<512x128xf32, #tpu.memory_space<vmem>> -> memref<128x128xf32, #tpu.memory_space<vmem>>
    %dma_start3A_46 = arith.constant 0 : i32
    %dma_start3A_47 = arith.constant 0 : i32
    %dma_start3A_48 = tpu.memref_slice %arg2[%dma_start3A_46, %dma_start3A_47] : memref<32x128xf32, #tpu.memory_space<hbm>> -> memref<32x128xf32, #tpu.memory_space<hbm>>
    tpu.enqueue_indirect_dma source(%dma_start3A_48 : memref<32x128xf32, #tpu.memory_space<hbm>>) target(%dma_start3A_45 : memref<128x128xf32, #tpu.memory_space<vmem>>) offsets(%arg4 : memref<128xi32, #tpu.memory_space<vmem>>) semaphore(%arg6 : memref<!tpu.dma_semaphore, #tpu.memory_space<semaphore_mem>>)
    %dma_start3A_49 = arith.constant 384 : i32
    %dma_start3A_50 = arith.constant 0 : i32
    %dma_start3A_51 = tpu.memref_slice %arg5[%dma_start3A_49, %dma_start3A_50] : memref<512x128xf32, #tpu.memory_space<vmem>> -> memref<128x128xf32, #tpu.memory_space<vmem>>
    %dma_start3A_52 = arith.constant 0 : i32
    %dma_start3A_53 = arith.constant 0 : i32
    %dma_start3A_54 = tpu.memref_slice %arg2[%dma_start3A_52, %dma_start3A_53] : memref<32x128xf32, #tpu.memory_space<hbm>> -> memref<32x128xf32, #tpu.memory_space<hbm>>
    tpu.enqueue_indirect_dma source(%dma_start3A_54 : memref<32x128xf32, #tpu.memory_space<hbm>>) target(%dma_start3A_51 : memref<128x128xf32, #tpu.memory_space<vmem>>) offsets(%arg4 : memref<128xi32, #tpu.memory_space<vmem>>) semaphore(%arg6 : memref<!tpu.dma_semaphore, #tpu.memory_space<semaphore_mem>>)
    %dma_wait3A = arith.constant 0 : i32
    %dma_wait3A_55 = arith.constant 0 : i32
    %dma_wait3A_56 = tpu.memref_slice %arg5[%dma_wait3A, %dma_wait3A_55] : memref<512x128xf32, #tpu.memory_space<vmem>> -> memref<128x128xf32, #tpu.memory_space<vmem>>
    %dma_wait3A_57 = arith.constant 0 : i32
    %dma_wait3A_58 = arith.constant 0 : i32
    %dma_wait3A_59 = tpu.memref_slice %arg2[%dma_wait3A_57, %dma_wait3A_58] : memref<32x128xf32, #tpu.memory_space<hbm>> -> memref<32x128xf32, #tpu.memory_space<hbm>>
    tpu.wait_indirect_dma semaphore(%arg6 : memref<!tpu.dma_semaphore, #tpu.memory_space<semaphore_mem>>) src(%dma_wait3A_59 : memref<32x128xf32, #tpu.memory_space<hbm>>) dst(%dma_wait3A_56 : memref<128x128xf32, #tpu.memory_space<vmem>>)
    %dma_wait3A_60 = arith.constant 128 : i32
    %dma_wait3A_61 = arith.constant 0 : i32
    %dma_wait3A_62 = tpu.memref_slice %arg5[%dma_wait3A_60, %dma_wait3A_61] : memref<512x128xf32, #tpu.memory_space<vmem>> -> memref<128x128xf32, #tpu.memory_space<vmem>>
    %dma_wait3A_63 = arith.constant 0 : i32
    %dma_wait3A_64 = arith.constant 0 : i32
    %dma_wait3A_65 = tpu.memref_slice %arg2[%dma_wait3A_63, %dma_wait3A_64] : memref<32x128xf32, #tpu.memory_space<hbm>> -> memref<32x128xf32, #tpu.memory_space<hbm>>
    tpu.wait_indirect_dma semaphore(%arg6 : memref<!tpu.dma_semaphore, #tpu.memory_space<semaphore_mem>>) src(%dma_wait3A_65 : memref<32x128xf32, #tpu.memory_space<hbm>>) dst(%dma_wait3A_62 : memref<128x128xf32, #tpu.memory_space<vmem>>)
    %dma_wait3A_66 = arith.constant 256 : i32
    %dma_wait3A_67 = arith.constant 0 : i32
    %dma_wait3A_68 = tpu.memref_slice %arg5[%dma_wait3A_66, %dma_wait3A_67] : memref<512x128xf32, #tpu.memory_space<vmem>> -> memref<128x128xf32, #tpu.memory_space<vmem>>
    %dma_wait3A_69 = arith.constant 0 : i32
    %dma_wait3A_70 = arith.constant 0 : i32
    %dma_wait3A_71 = tpu.memref_slice %arg2[%dma_wait3A_69, %dma_wait3A_70] : memref<32x128xf32, #tpu.memory_space<hbm>> -> memref<32x128xf32, #tpu.memory_space<hbm>>
    tpu.wait_indirect_dma semaphore(%arg6 : memref<!tpu.dma_semaphore, #tpu.memory_space<semaphore_mem>>) src(%dma_wait3A_71 : memref<32x128xf32, #tpu.memory_space<hbm>>) dst(%dma_wait3A_68 : memref<128x128xf32, #tpu.memory_space<vmem>>)
    %dma_wait3A_72 = arith.constant 384 : i32
    %dma_wait3A_73 = arith.constant 0 : i32
    %dma_wait3A_74 = tpu.memref_slice %arg5[%dma_wait3A_72, %dma_wait3A_73] : memref<512x128xf32, #tpu.memory_space<vmem>> -> memref<128x128xf32, #tpu.memory_space<vmem>>
    %dma_wait3A_75 = arith.constant 0 : i32
    %dma_wait3A_76 = arith.constant 0 : i32
    %dma_wait3A_77 = tpu.memref_slice %arg2[%dma_wait3A_75, %dma_wait3A_76] : memref<32x128xf32, #tpu.memory_space<hbm>> -> memref<32x128xf32, #tpu.memory_space<hbm>>
    tpu.wait_indirect_dma semaphore(%arg6 : memref<!tpu.dma_semaphore, #tpu.memory_space<semaphore_mem>>) src(%dma_wait3A_77 : memref<32x128xf32, #tpu.memory_space<hbm>>) dst(%dma_wait3A_74 : memref<128x128xf32, #tpu.memory_space<vmem>>)
    %mul3A_78 = arith.constant 512 : i32
    %mul3A_79 = arith.muli %add3A, %mul3A_78 : i32
    %add3A_80 = arith.constant 0 : i32
    %add3A_81 = arith.addi %add3A_80, %mul3A_79 : i32
    %dma_start3A_82 = arith.constant 0 : i32
    %dma_start3A_83 = tpu.memref_slice %arg3[%add3A_81, %dma_start3A_82] : memref<131072x128xf32, #tpu.memory_space<hbm>> -> memref<512x128xf32, #tpu.memory_space<hbm>>
    %dma_start3A_84 = arith.constant 0 : i32
    %dma_start3A_85 = tpu.memref_slice %arg3[%add3A_81, %dma_start3A_84] : memref<131072x128xf32, #tpu.memory_space<hbm>> -> memref<512x128xf32, #tpu.memory_space<hbm>>
    tpu.enqueue_dma source(%arg5 : memref<512x128xf32, #tpu.memory_space<vmem>>) target(%dma_start3A_85 : memref<512x128xf32, #tpu.memory_space<hbm>>) target_semaphore(%arg6 : memref<!tpu.dma_semaphore, #tpu.memory_space<semaphore_mem>>)
    %mul3A_86 = arith.constant 512 : i32
    %mul3A_87 = arith.muli %add3A, %mul3A_86 : i32
    %add3A_88 = arith.constant 16384 : i32
    %add3A_89 = arith.addi %add3A_88, %mul3A_87 : i32
    %dma_start3A_90 = arith.constant 0 : i32
    %dma_start3A_91 = tpu.memref_slice %arg3[%add3A_89, %dma_start3A_90] : memref<131072x128xf32, #tpu.memory_space<hbm>> -> memref<512x128xf32, #tpu.memory_space<hbm>>
    %dma_start3A_92 = arith.constant 0 : i32
    %dma_start3A_93 = tpu.memref_slice %arg3[%add3A_89, %dma_start3A_92] : memref<131072x128xf32, #tpu.memory_space<hbm>> -> memref<512x128xf32, #tpu.memory_space<hbm>>
    tpu.enqueue_dma source(%arg5 : memref<512x128xf32, #tpu.memory_space<vmem>>) target(%dma_start3A_93 : memref<512x128xf32, #tpu.memory_space<hbm>>) target_semaphore(%arg6 : memref<!tpu.dma_semaphore, #tpu.memory_space<semaphore_mem>>)
    %mul3A_94 = arith.constant 512 : i32
    %mul3A_95 = arith.muli %add3A, %mul3A_94 : i32
    %add3A_96 = arith.constant 32768 : i32
    %add3A_97 = arith.addi %add3A_96, %mul3A_95 : i32
    %dma_start3A_98 = arith.constant 0 : i32
    %dma_start3A_99 = tpu.memref_slice %arg3[%add3A_97, %dma_start3A_98] : memref<131072x128xf32, #tpu.memory_space<hbm>> -> memref<512x128xf32, #tpu.memory_space<hbm>>
    %dma_start3A_100 = arith.constant 0 : i32
    %dma_start3A_101 = tpu.memref_slice %arg3[%add3A_97, %dma_start3A_100] : memref<131072x128xf32, #tpu.memory_space<hbm>> -> memref<512x128xf32, #tpu.memory_space<hbm>>
    tpu.enqueue_dma source(%arg5 : memref<512x128xf32, #tpu.memory_space<vmem>>) target(%dma_start3A_101 : memref<512x128xf32, #tpu.memory_space<hbm>>) target_semaphore(%arg6 : memref<!tpu.dma_semaphore, #tpu.memory_space<semaphore_mem>>)
    %mul3A_102 = arith.constant 512 : i32
    %mul3A_103 = arith.muli %add3A, %mul3A_102 : i32
    %add3A_104 = arith.constant 49152 : i32
    %add3A_105 = arith.addi %add3A_104, %mul3A_103 : i32
    %dma_start3A_106 = arith.constant 0 : i32
    %dma_start3A_107 = tpu.memref_slice %arg3[%add3A_105, %dma_start3A_106] : memref<131072x128xf32, #tpu.memory_space<hbm>> -> memref<512x128xf32, #tpu.memory_space<hbm>>
    %dma_start3A_108 = arith.constant 0 : i32
    %dma_start3A_109 = tpu.memref_slice %arg3[%add3A_105, %dma_start3A_108] : memref<131072x128xf32, #tpu.memory_space<hbm>> -> memref<512x128xf32, #tpu.memory_space<hbm>>
    tpu.enqueue_dma source(%arg5 : memref<512x128xf32, #tpu.memory_space<vmem>>) target(%dma_start3A_109 : memref<512x128xf32, #tpu.memory_space<hbm>>) target_semaphore(%arg6 : memref<!tpu.dma_semaphore, #tpu.memory_space<semaphore_mem>>)
    %mul3A_110 = arith.constant 512 : i32
    %mul3A_111 = arith.muli %add3A, %mul3A_110 : i32
    %add3A_112 = arith.constant 65536 : i32
    %add3A_113 = arith.addi %add3A_112, %mul3A_111 : i32
    %dma_start3A_114 = arith.constant 0 : i32
    %dma_start3A_115 = tpu.memref_slice %arg3[%add3A_113, %dma_start3A_114] : memref<131072x128xf32, #tpu.memory_space<hbm>> -> memref<512x128xf32, #tpu.memory_space<hbm>>
    %dma_start3A_116 = arith.constant 0 : i32
    %dma_start3A_117 = tpu.memref_slice %arg3[%add3A_113, %dma_start3A_116] : memref<131072x128xf32, #tpu.memory_space<hbm>> -> memref<512x128xf32, #tpu.memory_space<hbm>>
    tpu.enqueue_dma source(%arg5 : memref<512x128xf32, #tpu.memory_space<vmem>>) target(%dma_start3A_117 : memref<512x128xf32, #tpu.memory_space<hbm>>) target_semaphore(%arg6 : memref<!tpu.dma_semaphore, #tpu.memory_space<semaphore_mem>>)
    %mul3A_118 = arith.constant 512 : i32
    %mul3A_119 = arith.muli %add3A, %mul3A_118 : i32
    %add3A_120 = arith.constant 81920 : i32
    %add3A_121 = arith.addi %add3A_120, %mul3A_119 : i32
    %dma_start3A_122 = arith.constant 0 : i32
    %dma_start3A_123 = tpu.memref_slice %arg3[%add3A_121, %dma_start3A_122] : memref<131072x128xf32, #tpu.memory_space<hbm>> -> memref<512x128xf32, #tpu.memory_space<hbm>>
    %dma_start3A_124 = arith.constant 0 : i32
    %dma_start3A_125 = tpu.memref_slice %arg3[%add3A_121, %dma_start3A_124] : memref<131072x128xf32, #tpu.memory_space<hbm>> -> memref<512x128xf32, #tpu.memory_space<hbm>>
    tpu.enqueue_dma source(%arg5 : memref<512x128xf32, #tpu.memory_space<vmem>>) target(%dma_start3A_125 : memref<512x128xf32, #tpu.memory_space<hbm>>) target_semaphore(%arg6 : memref<!tpu.dma_semaphore, #tpu.memory_space<semaphore_mem>>)
    %mul3A_126 = arith.constant 512 : i32
    %mul3A_127 = arith.muli %add3A, %mul3A_126 : i32
    %add3A_128 = arith.constant 98304 : i32
    %add3A_129 = arith.addi %add3A_128, %mul3A_127 : i32
    %dma_start3A_130 = arith.constant 0 : i32
    %dma_start3A_131 = tpu.memref_slice %arg3[%add3A_129, %dma_start3A_130] : memref<131072x128xf32, #tpu.memory_space<hbm>> -> memref<512x128xf32, #tpu.memory_space<hbm>>
    %dma_start3A_132 = arith.constant 0 : i32
    %dma_start3A_133 = tpu.memref_slice %arg3[%add3A_129, %dma_start3A_132] : memref<131072x128xf32, #tpu.memory_space<hbm>> -> memref<512x128xf32, #tpu.memory_space<hbm>>
    tpu.enqueue_dma source(%arg5 : memref<512x128xf32, #tpu.memory_space<vmem>>) target(%dma_start3A_133 : memref<512x128xf32, #tpu.memory_space<hbm>>) target_semaphore(%arg6 : memref<!tpu.dma_semaphore, #tpu.memory_space<semaphore_mem>>)
    %mul3A_134 = arith.constant 512 : i32
    %mul3A_135 = arith.muli %add3A, %mul3A_134 : i32
    %add3A_136 = arith.constant 114688 : i32
    %add3A_137 = arith.addi %add3A_136, %mul3A_135 : i32
    %dma_start3A_138 = arith.constant 0 : i32
    %dma_start3A_139 = tpu.memref_slice %arg3[%add3A_137, %dma_start3A_138] : memref<131072x128xf32, #tpu.memory_space<hbm>> -> memref<512x128xf32, #tpu.memory_space<hbm>>
    %dma_start3A_140 = arith.constant 0 : i32
    %dma_start3A_141 = tpu.memref_slice %arg3[%add3A_137, %dma_start3A_140] : memref<131072x128xf32, #tpu.memory_space<hbm>> -> memref<512x128xf32, #tpu.memory_space<hbm>>
    tpu.enqueue_dma source(%arg5 : memref<512x128xf32, #tpu.memory_space<vmem>>) target(%dma_start3A_141 : memref<512x128xf32, #tpu.memory_space<hbm>>) target_semaphore(%arg6 : memref<!tpu.dma_semaphore, #tpu.memory_space<semaphore_mem>>)
    %dma_wait3A_142 = arith.constant 0 : i32
    %dma_wait3A_143 = tpu.memref_slice %arg3[%add3A_81, %dma_wait3A_142] : memref<131072x128xf32, #tpu.memory_space<hbm>> -> memref<512x128xf32, #tpu.memory_space<hbm>>
    %dma_wait3A_144 = arith.constant 0 : i32
    %dma_wait3A_145 = tpu.memref_slice %arg3[%add3A_81, %dma_wait3A_144] : memref<131072x128xf32, #tpu.memory_space<hbm>> -> memref<512x128xf32, #tpu.memory_space<hbm>>
    tpu.wait_dma2 semaphore(%arg6 : memref<!tpu.dma_semaphore, #tpu.memory_space<semaphore_mem>>) src(%arg5 : memref<512x128xf32, #tpu.memory_space<vmem>>) dst(%dma_wait3A_145 : memref<512x128xf32, #tpu.memory_space<hbm>>)
    %dma_wait3A_146 = arith.constant 0 : i32
    %dma_wait3A_147 = tpu.memref_slice %arg3[%add3A_89, %dma_wait3A_146] : memref<131072x128xf32, #tpu.memory_space<hbm>> -> memref<512x128xf32, #tpu.memory_space<hbm>>
    %dma_wait3A_148 = arith.constant 0 : i32
    %dma_wait3A_149 = tpu.memref_slice %arg3[%add3A_89, %dma_wait3A_148] : memref<131072x128xf32, #tpu.memory_space<hbm>> -> memref<512x128xf32, #tpu.memory_space<hbm>>
    tpu.wait_dma2 semaphore(%arg6 : memref<!tpu.dma_semaphore, #tpu.memory_space<semaphore_mem>>) src(%arg5 : memref<512x128xf32, #tpu.memory_space<vmem>>) dst(%dma_wait3A_149 : memref<512x128xf32, #tpu.memory_space<hbm>>)
    %dma_wait3A_150 = arith.constant 0 : i32
    %dma_wait3A_151 = tpu.memref_slice %arg3[%add3A_97, %dma_wait3A_150] : memref<131072x128xf32, #tpu.memory_space<hbm>> -> memref<512x128xf32, #tpu.memory_space<hbm>>
    %dma_wait3A_152 = arith.constant 0 : i32
    %dma_wait3A_153 = tpu.memref_slice %arg3[%add3A_97, %dma_wait3A_152] : memref<131072x128xf32, #tpu.memory_space<hbm>> -> memref<512x128xf32, #tpu.memory_space<hbm>>
    tpu.wait_dma2 semaphore(%arg6 : memref<!tpu.dma_semaphore, #tpu.memory_space<semaphore_mem>>) src(%arg5 : memref<512x128xf32, #tpu.memory_space<vmem>>) dst(%dma_wait3A_153 : memref<512x128xf32, #tpu.memory_space<hbm>>)
    %dma_wait3A_154 = arith.constant 0 : i32
    %dma_wait3A_155 = tpu.memref_slice %arg3[%add3A_105, %dma_wait3A_154] : memref<131072x128xf32, #tpu.memory_space<hbm>> -> memref<512x128xf32, #tpu.memory_space<hbm>>
    %dma_wait3A_156 = arith.constant 0 : i32
    %dma_wait3A_157 = tpu.memref_slice %arg3[%add3A_105, %dma_wait3A_156] : memref<131072x128xf32, #tpu.memory_space<hbm>> -> memref<512x128xf32, #tpu.memory_space<hbm>>
    tpu.wait_dma2 semaphore(%arg6 : memref<!tpu.dma_semaphore, #tpu.memory_space<semaphore_mem>>) src(%arg5 : memref<512x128xf32, #tpu.memory_space<vmem>>) dst(%dma_wait3A_157 : memref<512x128xf32, #tpu.memory_space<hbm>>)
    %dma_wait3A_158 = arith.constant 0 : i32
    %dma_wait3A_159 = tpu.memref_slice %arg3[%add3A_113, %dma_wait3A_158] : memref<131072x128xf32, #tpu.memory_space<hbm>> -> memref<512x128xf32, #tpu.memory_space<hbm>>
    %dma_wait3A_160 = arith.constant 0 : i32
    %dma_wait3A_161 = tpu.memref_slice %arg3[%add3A_113, %dma_wait3A_160] : memref<131072x128xf32, #tpu.memory_space<hbm>> -> memref<512x128xf32, #tpu.memory_space<hbm>>
    tpu.wait_dma2 semaphore(%arg6 : memref<!tpu.dma_semaphore, #tpu.memory_space<semaphore_mem>>) src(%arg5 : memref<512x128xf32, #tpu.memory_space<vmem>>) dst(%dma_wait3A_161 : memref<512x128xf32, #tpu.memory_space<hbm>>)
    %dma_wait3A_162 = arith.constant 0 : i32
    %dma_wait3A_163 = tpu.memref_slice %arg3[%add3A_121, %dma_wait3A_162] : memref<131072x128xf32, #tpu.memory_space<hbm>> -> memref<512x128xf32, #tpu.memory_space<hbm>>
    %dma_wait3A_164 = arith.constant 0 : i32
    %dma_wait3A_165 = tpu.memref_slice %arg3[%add3A_121, %dma_wait3A_164] : memref<131072x128xf32, #tpu.memory_space<hbm>> -> memref<512x128xf32, #tpu.memory_space<hbm>>
    tpu.wait_dma2 semaphore(%arg6 : memref<!tpu.dma_semaphore, #tpu.memory_space<semaphore_mem>>) src(%arg5 : memref<512x128xf32, #tpu.memory_space<vmem>>) dst(%dma_wait3A_165 : memref<512x128xf32, #tpu.memory_space<hbm>>)
    %dma_wait3A_166 = arith.constant 0 : i32
    %dma_wait3A_167 = tpu.memref_slice %arg3[%add3A_129, %dma_wait3A_166] : memref<131072x128xf32, #tpu.memory_space<hbm>> -> memref<512x128xf32, #tpu.memory_space<hbm>>
    %dma_wait3A_168 = arith.constant 0 : i32
    %dma_wait3A_169 = tpu.memref_slice %arg3[%add3A_129, %dma_wait3A_168] : memref<131072x128xf32, #tpu.memory_space<hbm>> -> memref<512x128xf32, #tpu.memory_space<hbm>>
    tpu.wait_dma2 semaphore(%arg6 : memref<!tpu.dma_semaphore, #tpu.memory_space<semaphore_mem>>) src(%arg5 : memref<512x128xf32, #tpu.memory_space<vmem>>) dst(%dma_wait3A_169 : memref<512x128xf32, #tpu.memory_space<hbm>>)
    %dma_wait3A_170 = arith.constant 0 : i32
    %dma_wait3A_171 = tpu.memref_slice %arg3[%add3A_137, %dma_wait3A_170] : memref<131072x128xf32, #tpu.memory_space<hbm>> -> memref<512x128xf32, #tpu.memory_space<hbm>>
    %dma_wait3A_172 = arith.constant 0 : i32
    %dma_wait3A_173 = tpu.memref_slice %arg3[%add3A_137, %dma_wait3A_172] : memref<131072x128xf32, #tpu.memory_space<hbm>> -> memref<512x128xf32, #tpu.memory_space<hbm>>
    tpu.wait_dma2 semaphore(%arg6 : memref<!tpu.dma_semaphore, #tpu.memory_space<semaphore_mem>>) src(%arg5 : memref<512x128xf32, #tpu.memory_space<vmem>>) dst(%dma_wait3A_173 : memref<512x128xf32, #tpu.memory_space<hbm>>)
    return
  }
}

</mosaic_0001>

<sc_bundles>
// kernel: kernel.3.cloned.1.call-start
scs
__scs_entry_jumppad:
0x0: {  	(pc) =	sbr.rel $0x88, $3  }
0x1: {  	(tag) =	ssettag $0x0;
	lr =	simm.s32 $0x1  }
0x2: {  	[smem:$0x3FA0] =	sst lr;
	_ =	strace $0xD0000000  }
0x3: {  	_ = 	snop  }
0x4: {  	_ = 	snop  }
0x5: {  	_ = 	snop  }
0x6: {  	_ = 	snop  }
0x7: {  	_ = 	snop  }
__scs_overlays_trampoline_lowered:
0x8: {  	[smem:$0x3FAF] =	sst s0  }
0x9: {  	[smem:$0x3FB0] =	sst s1  }
0xa: {  	[smem:$0x3FB1] =	sst s2  }
0xb: {  	[smem:$0x3FB2] =	sst s3  }
0xc: {  	[smem:$0x3FB3] =	sst s4  }
0xd: {  	[smem:$0x3FB4] =	sst s5  }
0xe: {  	[smem:$0x3FB5] =	sst s6  }
0xf: {  	[smem:$0x3FB6] =	sst s7  }
0x10: {  	[smem:$0x3FB7] =	sst s8  }
0x11: {  	[smem:$0x3FB8] =	sst s9;
	s0 =	simm.s32 @!p0 $0x0  }
0x12: {  	s1 =	sld [smem:$0x3F9E];
	s0 =	simm.s32 @p0 $0x1  }
0x13: {  	[smem:$0x3FB9] =	sst s0;
	s0 =	simm.s32 @!p1 $0x0  }
0x14: {  	s2 =	sld [smem:$0x3F9D];
	s0 =	simm.s32 @p1 $0x1  }
0x15: {  	[smem:$0x3FBA] =	sst s0;
	s0 =	simm.s32 @!p2 $0x0  }
0x16: {  	s3 =	sld [smem:$0x3FDB];
	s0 =	simm.s32 @p2 $0x1  }
0x17: {  	s4 =	simm.s32 $0x1BF5;
	[smem:$0x3FBC] =	sst s0  }
0x18: {  	s0 =	sld [smem:$0x3F9F];
	_ =	swait.ge [sflag:s4], $0x0  }
0x19: {  	s7 =	sld [smem:$0x3FA0]  }
0x1a: {  	s8 =	sadd.s32 $0xFFFFE003, lr  }
0x1b: {  	s9 =	sadd.s32 $0xFFFFFEF7, lr;
	s5 =	simm.s32 $0xFFFFFFFF;
	p2 =	slt.u32 s8, $0xFFFFF086  }
0x1c: {  	p1 =	slt.u32 s9, $0xF7A;
	s5 =	simm.s32 @!p2 $0x0  }
0x1d: {  	s5 =	simm.s32 @p1 $0x1;
	p0 =	seq.s32 s7, s2  }
0x1e: {  	s7 =	smul.u32 @!p0 $0xF7A, s2;
	p2 =	seq.s32 @!p0 s5, $0x0  }
0x1f: {  	s9 =	smul.u32 $0xF7A, s1;
	s8 =	simm.s32 @!p0 $0x1BF5;
	p2 =	por !p2, p0  }
0x20: {  	[sflag:s8] =	ssyncset.s32 @!p0 $0xFFFFF086;
	s6 =	sadd.s32 @!p0 s3, s7;
	s7 =	simm.s32 @!p0 $0x108  }
0x21: {  	s3 =	sadd.s32 s3, s9;
	s6 =	sadd.s32 @!p0 $0x88, s6;
	s7 =	simm.s32 @p2 $0x1082  }
0x22: {  	[simem:s7], [sflag:s8] =	dma.local @!p0 [hbm:s6], $0xF7A  }
0x23: {  	s9 =	sor.u32 $0xD0000000, s2;
	s6 =	simm.s32 $0x108;
	_ =	swait.ge @!p0 [sflag:s8], $0x0  }
0x24: {  	s3 =	sadd.s32 $0x88, s3;
	s6 =	simm.s32 @!p1 $0x1082;
	[sflag:s4] =	ssyncset.s32 $0xFFFFF086  }
0x25: {  	[simem:s6], [sflag:s4] =	dma.local [hbm:s3], $0xF7A  }
0x26: {  	[smem:$0x3FA0] =	sst s1;
	(tag) =	ssettag s2;
	_ =	strace s9  }
0x27: {  	s1 =	sld [smem:$0x3FB0]  }
0x28: {  	s2 =	sld [smem:$0x3FB1]  }
0x29: {  	s4 =	sld [smem:$0x3FB3]  }
0x2a: {  	p0 =	seq.s32 s5, $0x0;
	s5 =	sld [smem:$0x3FB4]  }
0x2b: {  	s6 =	sld [smem:$0x3FB5]  }
0x2c: {  	s7 =	sld [smem:$0x3FB6]  }
0x2d: {  	s3 =	simm.s32 $0x108;
	s8 =	sld [smem:$0x3FB7]  }
0x2e: {  	s3 =	simm.s32 @!p0 $0x1082;
	s9 =	sld [smem:$0x3FB8]  }
0x2f: {  	lr =	sadd.s32 s0, s3;
	s0 =	sld [smem:$0x3FAF]  }
0x30: {  	s3 =	sld [smem:$0x3FB2]  }
0x31: {  	[smem:$0x3FBB] =	sst s10  }
0x32: {  	s10 =	sld [smem:$0x3FB9];
	_ =	sdelay $0x3  }
0x33: {  	p0 =	seq.s32 s10, $0x1;
	s10 =	sld [smem:$0x3FBB];
	_ =	sdelay $0x3  }
0x34: {  	[smem:$0x3FBB] =	sst s10  }
0x35: {  	s10 =	sld [smem:$0x3FBA];
	_ =	sdelay $0x3  }
0x36: {  	p1 =	seq.s32 s10, $0x1;
	s10 =	sld [smem:$0x3FBB];
	_ =	sdelay $0x3  }
0x37: {  	[smem:$0x3FBB] =	sst s10  }
0x38: {  	s10 =	sld [smem:$0x3FBC]  }
0x39: {  	_ = 	snop;
	(pc) =	sbr.ind lr, $3  }
0x3a: {  	_ = 	snop  }
0x3b: {  	_ = 	snop  }
0x3c: {  	p2 =	seq.s32 s10, $0x1;
	s10 =	sld [smem:$0x3FBB]  }
0x3d: {  	_ =	shalt  }
0x3e: {  	_ =	shalt  }
0x3f: {  	_ =	shalt  }
0x40: {  	_ =	shalt  }
0x41: {  	_ =	shalt  }
0x42: {  	_ =	shalt  }
0x43: {  	_ =	shalt  }
0x44: {  	_ =	shalt  }
0x45: {  	_ =	shalt  }
0x46: {  	_ =	shalt  }
0x47: {  	_ =	shalt  }
0x48: {  	_ =	shalt  }
0x49: {  	_ =	shalt  }
0x4a: {  	_ =	shalt  }
0x4b: {  	_ =	shalt  }
0x4c: {  	_ =	shalt  }
0x4d: {  	_ =	shalt  }
0x4e: {  	_ =	shalt  }
0x4f: {  	_ =	shalt  }
0x50: {  	_ =	shalt  }
0x51: {  	_ =	shalt  }
0x52: {  	_ =	shalt  }
0x53: {  	_ =	shalt  }
0x54: {  	_ =	shalt  }
0x55: {  	_ =	shalt  }
0x56: {  	_ =	shalt  }
0x57: {  	_ =	shalt  }
0x58: {  	_ =	shalt  }
0x59: {  	_ =	shalt  }
0x5a: {  	_ =	shalt  }
0x5b: {  	_ =	shalt  }
0x5c: {  	_ =	shalt  }
0x5d: {  	_ =	shalt  }
0x5e: {  	_ =	shalt  }
0x5f: {  	_ =	shalt  }
0x60: {  	_ =	shalt  }
0x61: {  	_ =	shalt  }
0x62: {  	_ =	shalt  }
0x63: {  	_ =	shalt  }
0x64: {  	_ =	shalt  }
0x65: {  	_ =	shalt  }
0x66: {  	_ =	shalt  }
0x67: {  	_ =	shalt  }
0x68: {  	_ =	shalt  }
0x69: {  	_ =	shalt  }
0x6a: {  	_ =	shalt  }
0x6b: {  	_ =	shalt  }
0x6c: {  	_ =	shalt  }
0x6d: {  	_ =	shalt  }
0x6e: {  	_ =	shalt  }
0x6f: {  	_ =	shalt  }
0x70: {  	_ =	shalt  }
0x71: {  	_ =	shalt  }
0x72: {  	_ =	shalt  }
0x73: {  	_ =	shalt  }
0x74: {  	_ =	shalt  }
0x75: {  	_ =	shalt  }
0x76: {  	_ =	shalt  }
0x77: {  	_ =	shalt  }
0x78: {  	_ =	shalt  }
0x79: {  	_ =	shalt  }
0x7a: {  	_ =	shalt  }
0x7b: {  	_ =	shalt  }
0x7c: {  	_ =	shalt  }
0x7d: {  	_ =	shalt  }
0x7e: {  	_ =	shalt  }
0x7f: {  	_ =	shalt  }
0x80: {  	_ =	shalt  }
0x81: {  	_ =	shalt  }
0x82: {  	_ =	shalt  }
0x83: {  	_ =	shalt  }
0x84: {  	_ =	shalt  }
0x85: {  	_ =	shalt  }
0x86: {  	_ =	shalt  }
0x87: {  	_ =	shalt  }
.Lfunc_end0:
.L_simem_size_0:
called_computation_lowered:
.L_overlay_start_0:
0x88: {  	s2 =	sld [smem:$0x3FD9]  }
0x89: {  	s3 =	sld [smem:$0x3FFE];
	_ =	sdelay $0x1  }
0x8a: {  	s1 =	srdreg.scid  }
0x8b: {  	s0 =	sand.u32 $0x1, s1  }
0x8c: {  	s18 =	sshll.u32 s0, $0xA;
	s2 =	sadd.s32 s3, s2  }
0x8d: {  	s2 =	sadd.s32 s2, s18  }
0x8e: {  	[smem:$0x3FC7] =	sst s2  }
0x8f: {  	_ = 	snop  }
0x90: {  	s2 =	sld [smem:$0x3FC9]  }
0x91: {  	s19 =	sld [smem:$0x3FD0];
	(tm) =	ssettm $0x1  }
0x92: {  	s4 =	sld [smem:$0x3FFB];
	_ =	sdelay $0x3  }
0x93: {  	_ =	strace s4  }
0x94: {  	s4 =	sld [smem:$0x3FFC];
	_ =	sdelay $0x3  }
0x95: {  	_ =	strace s4  }
0x96: {  	s4 =	sld [smem:$0x3FFD];
	_ =	sdelay $0x3  }
0x97: {  	_ =	strace s4  }
0x98: {  	_ =	strace $0x8FFFFFFF  }
0x99: {  	s20 =	sld [smem:$0x3FDB];
	_ =	sdelay $0x1  }
0x9a: {  	s5 =	simm.s32 $_scs_section_size  }
0x9b: {  	s6 =	simm.s32 $_size__tile_overlayer_lowered;
	s7 =	simm.s32 $_tile_overlayer_lowered  }
0x9c: {  	s23 =	simm.s32 $0x1BFF;
	s22 =	sshll.u32 s7, $0x1;
	s4 =	sadd.s32 s5, s20  }
0x9d: {  	s8 =	simm.s32 $0x0;
	s21 =	sshll.u32 s6, $0x1;
	s6 =	sadd.s32 s22, s4  }
0x9e: {  	[timem:s8], [sflag:s23] =	dma.local [hbm:s6], s21  }
0x9f: {  	_ =	swait.ge [sflag:s23], s21  }
0xa0: {  	s5 =	ssub.s32 $0x0, s21;
	[sflag:s23] =	ssyncset.done $0x0  }
0xa1: {  	[sflag:s23] =	ssyncadd.s32 s5;
	_ =	sdelay $0x1  }
0xa2: {  	s24 =	simm.s32 $0x1B8B  }
0xa3: {  	_ =	swait.ge [sflag:s24], $0x1  }
0xa4: {  	[sflag:s24] =	ssyncset.done $0x0  }
0xa5: {  	s25 =	simm.s32 $0x1B8E;
	[sflag:s24] =	ssyncadd.s32 $0xFFFFFFFF  }
0xa6: {  	s26 =	simm.s32 $execute0_lowered;
	[smem:$0x3FD2] =	sst s25  }
0xa7: {  	s5 =	sshll.u32 s26, $0x1;
	_ =	strace $0x80000046;
	[dreg:$0x1] =	wrdreg $0xFFFFFFFF  }
0xa8: {  	s28 =	simm.s32 $_size_execute0_lowered;
	s4 =	sadd.s32 s4, s5;
	[dreg:$0x0] =	wrdreg $0x0  }
0xa9: {  	s5 =	sshll.u32 s28, $0x1;
	[dreg:$0x2] =	wrdreg s4  }
0xaa: {  	[dreg:$0x3] =	wrdreg s5  }
0xab: {  	[dreg:$0x4] =	wrdreg $0xC0  }
0xac: {  	_ =	task [dreg:s8], $0x5FFFF  }
0xad: {  	[dreg:$0x1] =	wrdreg $0xFFFFFFFF  }
0xae: {  	[dreg:$0x0] =	wrdreg $0x60  }
0xaf: {  	[dreg:$0x2] =	wrdreg s2  }
0xb0: {  	[dreg:$0x3] =	wrdreg s19  }
0xb1: {  	[dreg:$0x4] =	wrdreg $0x9  }
0xb2: {  	_ =	task.clear_ibuf [dreg:s8], $0x5FFFF;
	_ =	strace $0x90000046  }
0xb3: {  	s29 =	simm.s32 $0x9;
	_ =	strace $0x80000048  }
0xb4: {  	_ =	swait.ge [sflag:s29], $0x1  }
0xb5: {  	[sflag:s29] =	ssyncadd.s32 $0xFFFFFFFF  }
0xb6: {  	_ =	strace $0x90000048  }
0xb7: {  	_ =	sfence  }
0xb8: {  	s30 =	sld [smem:$0x0];
	_ =	sdelay $0x2  }
0xb9: {  	s31 =	sshll.u32 s1, $0xD;
	s1 =	sshrl.u32 s1, $0x2  }
0xba: {  	s3 =	sand.u32 $0x4000, s31;
	s1 =	sadd.s32 s1, s30  }
0xbb: {  	s0 =	sor.u32 s3, s0;
	s1 =	sshll.u32 s1, $0x11  }
0xbc: {  	s0 =	sor.u32 s1, s0  }
0xbd: {  	s0 =	sadd.s32 $0x8F2B, s0  }
0xbe: {  	[sflag:s0] =	ssyncadd.remote.s32 $0x1  }
0xbf: {  	_ =	sfence.sel $0xFFFF  }
0xc0: {  	[dreg:$0x0] =	wrdreg $0xFFFFFFFF;
	(pc) =	sbr.abs _section_cstart, $3  }
0xc1: {  	[dreg:$0x1] =	wrdreg $0xFFFFFFFF  }
0xc2: {  	_ =	task.clear_ibuf [dreg:s8], $0x2FFFF;
	_ =	strace $0x9FFFFFFF  }
0xc3: {  	(tm) =	ssettm $0x7FFFFFFF  }
tec
execute0_lowered:
.L_overlay_start_1:
0x0: {  	(tag) =	ssettag $0x1  }
0x1: {  	s4 =	srdreg.scid;
	s1 =	stileid.u32  }
0x2: {  	s2 =	rddreg [dreg:$0x0];
	s17 =	sand.u32 $0x1, s4;
	s31 =	sshll.u32 s1, $0x1  }
0x3: {  	s9 =	rddreg [dreg:$0x1];
	s3 =	simm.s32 $0x0;
	s10 =	sor.u32 s17, s31  }
0x4: {  	[smem:$0x7FF] =	sst s3;
	v0 =	vmov s10  }
0x5: {  	s0 =	rddreg [dreg:$0x2];
	_ =	strace $0x80000047;
	[tilespmem:$0x20] =	vst v0  }
0x6: {  	[tilespmem:$0x30] =	vst v0  }
0x7: {  	[tilespmem:$0x40] =	vst v0  }
0x8: {  	[tilespmem:$0x0] =	vst v0  }
0x9: {  	[tilespmem:$0x70] =	vst v0  }
0xa: {  	[tilespmem:$0x60] =	vst v0  }
0xb: {  	[tilespmem:$0x50] =	vst v0  }
0xc: {  	s4 =	simm.s32 $0x80;
	[tilespmem:$0x10] =	vst v0  }
0xd: {  	[tilespmem:s4], [sflag:$0x1] =	stream.indirect.gather [hbm4b:s2+s4], $0x80, s3, s4, $0xb8;
	[tilespmem:$0x10080] =	vst v63  }
0xe: {  	s5 =	simm.s32 $0x4080  }
0xf: {  	[tilespmem:s5], [sflag:$0x1] =	stream.indirect.gather [hbm4b:s2+s4], $0x80, s3, s4, $0xb8;
	[tilespmem:$0x10080] =	vst v63  }
0x10: {  	s6 =	simm.s32 $0x8080  }
0x11: {  	[tilespmem:s6], [sflag:$0x1] =	stream.indirect.gather [hbm4b:s2+s4], $0x80, s3, s4, $0xb8;
	[tilespmem:$0x10080] =	vst v63  }
0x12: {  	s8 =	simm.s32 $0xC080;
	s7 =	simm.s32 $0x1  }
0x13: {  	[tilespmem:s8], [sflag:$0x1] =	stream.indirect.gather [hbm4b:s2+s4], $0x80, s3, s4, $0xb8;
	[tilespmem:$0x10080] =	vst v63  }
0x14: {  	_ =	swait.ge [sflag:s7], $0x4000  }
0x15: {  	[sflag:s7] =	ssyncset.done $0x0  }
0x16: {  	[sflag:s7] =	ssyncadd.s32 $0xFFFFC000  }
0x17: {  	_ =	swait.ge [sflag:s7], $0x4000  }
0x18: {  	[sflag:s7] =	ssyncset.done $0x0  }
0x19: {  	[sflag:s7] =	ssyncadd.s32 $0xFFFFC000  }
0x1a: {  	_ =	swait.ge [sflag:s7], $0x4000  }
0x1b: {  	[sflag:s7] =	ssyncset.done $0x0  }
0x1c: {  	[sflag:s7] =	ssyncadd.s32 $0xFFFFC000  }
0x1d: {  	_ =	swait.ge [sflag:s7], $0x4000  }
0x1e: {  	s10 =	sshll.u32 s10, $0xD;
	[sflag:s7] =	ssyncset.done $0x0  }
0x1f: {  	s9 =	sadd.s32 s9, s10;
	[sflag:s7] =	ssyncadd.s32 $0xFFFFC000  }
0x20: {  	[hbm4b:s9+s3] =	stream.linear.scatter [tilespmem:s4], [sflag:$0x1], $0x10000, $0x38;
	[tilespmem:$0x10080] =	vst v63  }
0x21: {  	s10 =	sadd.s32 $0x40000, s9  }
0x22: {  	[hbm4b:s10+s3] =	stream.linear.scatter [tilespmem:s4], [sflag:$0x1], $0x10000, $0x38;
	[tilespmem:$0x10080] =	vst v63  }
0x23: {  	s11 =	sadd.s32 $0x80000, s9  }
0x24: {  	[hbm4b:s11+s3] =	stream.linear.scatter [tilespmem:s4], [sflag:$0x1], $0x10000, $0x38;
	[tilespmem:$0x10080] =	vst v63  }
0x25: {  	s12 =	sadd.s32 $0xC0000, s9  }
0x26: {  	[hbm4b:s12+s3] =	stream.linear.scatter [tilespmem:s4], [sflag:$0x1], $0x10000, $0x38;
	[tilespmem:$0x10080] =	vst v63  }
0x27: {  	s13 =	sadd.s32 $0x100000, s9  }
0x28: {  	[hbm4b:s13+s3] =	stream.linear.scatter [tilespmem:s4], [sflag:$0x1], $0x10000, $0x38;
	[tilespmem:$0x10080] =	vst v63  }
0x29: {  	s14 =	sadd.s32 $0x140000, s9  }
0x2a: {  	[hbm4b:s14+s3] =	stream.linear.scatter [tilespmem:s4], [sflag:$0x1], $0x10000, $0x38;
	[tilespmem:$0x10080] =	vst v63  }
0x2b: {  	s15 =	sadd.s32 $0x180000, s9  }
0x2c: {  	[hbm4b:s15+s3] =	stream.linear.scatter [tilespmem:s4], [sflag:$0x1], $0x10000, $0x38;
	[tilespmem:$0x10080] =	vst v63  }
0x2d: {  	s16 =	sadd.s32 $0x1C0000, s9  }
0x2e: {  	[hbm4b:s16+s3] =	stream.linear.scatter [tilespmem:s4], [sflag:$0x1], $0x10000, $0x38;
	[tilespmem:$0x10080] =	vst v63  }
0x2f: {  	_ =	swait.ge [sflag:s7], $0x10000  }
0x30: {  	[sflag:s7] =	ssyncset.done $0x0  }
0x31: {  	[sflag:s7] =	ssyncadd.s32 $0xFFFF0000  }
0x32: {  	_ =	swait.ge [sflag:s7], $0x10000  }
0x33: {  	[sflag:s7] =	ssyncset.done $0x0  }
0x34: {  	[sflag:s7] =	ssyncadd.s32 $0xFFFF0000  }
0x35: {  	_ =	swait.ge [sflag:s7], $0x10000  }
0x36: {  	[sflag:s7] =	ssyncset.done $0x0  }
0x37: {  	[sflag:s7] =	ssyncadd.s32 $0xFFFF0000  }
0x38: {  	_ =	swait.ge [sflag:s7], $0x10000  }
0x39: {  	[sflag:s7] =	ssyncset.done $0x0  }
0x3a: {  	[sflag:s7] =	ssyncadd.s32 $0xFFFF0000  }
0x3b: {  	_ =	swait.ge [sflag:s7], $0x10000  }
0x3c: {  	s17 =	ssub.s32 $0x2, s17;
	[sflag:s7] =	ssyncset.done $0x0  }
0x3d: {  	s18 =	sshrl.u32 s17, $0x1;
	[sflag:s7] =	ssyncadd.s32 $0xFFFF0000  }
0x3e: {  	s17 =	ssub.s32 s17, s18;
	_ =	swait.ge [sflag:s7], $0x10000  }
0x3f: {  	s17 =	smax.u32 s17, $0x1;
	[sflag:s7] =	ssyncset.done $0x0  }
0x40: {  	p0 =	sne.s32 s17, $0x1;
	[sflag:s7] =	ssyncadd.s32 $0xFFFF0000  }
.Ltmp0:
0x41: {  	_ =	swait.ge [sflag:s7], $0x10000;
	(pc) =	sbr.rel @!p0 .LBB2_2-.Ltmp0, $4  }
0x42: {  	[sflag:s7] =	ssyncset.done $0x0  }
0x43: {  	[sflag:s7] =	ssyncadd.s32 $0xFFFF0000  }
0x44: {  	_ =	swait.ge [sflag:s7], $0x10000  }
0x45: {  	s17 =	sadd.s32 $0xFFFFFFFF, s17;
	[sflag:s7] =	ssyncset.done $0x0  }
.LBB2_1:
0x46: {  	p0 =	sne.s32 s17, $0x1;
	s17 =	sadd.s32 $0xFFFFFFFF, s17;
	[sflag:s7] =	ssyncadd.s32 $0xFFFF0000  }
0x47: {  	[tilespmem:$0x20] =	vst v0  }
0x48: {  	[tilespmem:$0x30] =	vst v0  }
0x49: {  	[tilespmem:$0x40] =	vst v0  }
0x4a: {  	[tilespmem:$0x0] =	vst v0  }
0x4b: {  	[tilespmem:$0x70] =	vst v0  }
0x4c: {  	[tilespmem:$0x60] =	vst v0  }
0x4d: {  	[tilespmem:$0x50] =	vst v0  }
0x4e: {  	[tilespmem:$0x10] =	vst v0  }
0x4f: {  	[tilespmem:s4], [sflag:$0x1] =	stream.indirect.gather [hbm4b:s2+s4], $0x80, s3, s4, $0xb8;
	[tilespmem:$0x10080] =	vst v63  }
0x50: {  	_ = 	snop  }
0x51: {  	[tilespmem:s5], [sflag:$0x1] =	stream.indirect.gather [hbm4b:s2+s4], $0x80, s3, s4, $0xb8;
	[tilespmem:$0x10080] =	vst v63  }
0x52: {  	_ = 	snop  }
0x53: {  	[tilespmem:s6], [sflag:$0x1] =	stream.indirect.gather [hbm4b:s2+s4], $0x80, s3, s4, $0xb8;
	[tilespmem:$0x10080] =	vst v63  }
0x54: {  	_ = 	snop  }
0x55: {  	[tilespmem:s8], [sflag:$0x1] =	stream.indirect.gather [hbm4b:s2+s4], $0x80, s3, s4, $0xb8;
	[tilespmem:$0x10080] =	vst v63  }
0x56: {  	_ =	swait.ge [sflag:s7], $0x4000  }
0x57: {  	[sflag:s7] =	ssyncset.done $0x0  }
0x58: {  	[sflag:s7] =	ssyncadd.s32 $0xFFFFC000  }
0x59: {  	_ =	swait.ge [sflag:s7], $0x4000  }
0x5a: {  	[sflag:s7] =	ssyncset.done $0x0  }
0x5b: {  	[sflag:s7] =	ssyncadd.s32 $0xFFFFC000  }
0x5c: {  	_ =	swait.ge [sflag:s7], $0x4000  }
0x5d: {  	[sflag:s7] =	ssyncset.done $0x0  }
0x5e: {  	[sflag:s7] =	ssyncadd.s32 $0xFFFFC000  }
0x5f: {  	_ =	swait.ge [sflag:s7], $0x4000  }
0x60: {  	[sflag:s7] =	ssyncset.done $0x0  }
0x61: {  	[sflag:s7] =	ssyncadd.s32 $0xFFFFC000  }
0x62: {  	[hbm4b:s9+s3] =	stream.linear.scatter [tilespmem:s4], [sflag:$0x1], $0x10000, $0x38;
	[tilespmem:$0x10080] =	vst v63  }
0x63: {  	_ = 	snop  }
0x64: {  	[hbm4b:s10+s3] =	stream.linear.scatter [tilespmem:s4], [sflag:$0x1], $0x10000, $0x38;
	[tilespmem:$0x10080] =	vst v63  }
0x65: {  	_ = 	snop  }
0x66: {  	[hbm4b:s11+s3] =	stream.linear.scatter [tilespmem:s4], [sflag:$0x1], $0x10000, $0x38;
	[tilespmem:$0x10080] =	vst v63  }
0x67: {  	_ = 	snop  }
0x68: {  	[hbm4b:s12+s3] =	stream.linear.scatter [tilespmem:s4], [sflag:$0x1], $0x10000, $0x38;
	[tilespmem:$0x10080] =	vst v63  }
0x69: {  	_ = 	snop  }
0x6a: {  	[hbm4b:s13+s3] =	stream.linear.scatter [tilespmem:s4], [sflag:$0x1], $0x10000, $0x38;
	[tilespmem:$0x10080] =	vst v63  }
0x6b: {  	_ = 	snop  }
0x6c: {  	[hbm4b:s14+s3] =	stream.linear.scatter [tilespmem:s4], [sflag:$0x1], $0x10000, $0x38;
	[tilespmem:$0x10080] =	vst v63  }
0x6d: {  	_ = 	snop  }
0x6e: {  	[hbm4b:s15+s3] =	stream.linear.scatter [tilespmem:s4], [sflag:$0x1], $0x10000, $0x38;
	[tilespmem:$0x10080] =	vst v63  }
0x6f: {  	_ = 	snop  }
0x70: {  	[hbm4b:s16+s3] =	stream.linear.scatter [tilespmem:s4], [sflag:$0x1], $0x10000, $0x38;
	[tilespmem:$0x10080] =	vst v63  }
0x71: {  	_ =	swait.ge [sflag:s7], $0x10000  }
0x72: {  	[sflag:s7] =	ssyncset.done $0x0  }
0x73: {  	[sflag:s7] =	ssyncadd.s32 $0xFFFF0000  }
0x74: {  	_ =	swait.ge [sflag:s7], $0x10000  }
0x75: {  	[sflag:s7] =	ssyncset.done $0x0  }
0x76: {  	[sflag:s7] =	ssyncadd.s32 $0xFFFF0000  }
0x77: {  	_ =	swait.ge [sflag:s7], $0x10000  }
0x78: {  	[sflag:s7] =	ssyncset.done $0x0  }
0x79: {  	[sflag:s7] =	ssyncadd.s32 $0xFFFF0000  }
0x7a: {  	_ =	swait.ge [sflag:s7], $0x10000  }
0x7b: {  	[sflag:s7] =	ssyncset.done $0x0  }
0x7c: {  	[sflag:s7] =	ssyncadd.s32 $0xFFFF0000  }
0x7d: {  	_ =	swait.ge [sflag:s7], $0x10000  }
0x7e: {  	[sflag:s7] =	ssyncset.done $0x0  }
0x7f: {  	[sflag:s7] =	ssyncadd.s32 $0xFFFF0000  }
0x80: {  	_ =	swait.ge [sflag:s7], $0x10000  }
0x81: {  	[sflag:s7] =	ssyncset.done $0x0  }
0x82: {  	[sflag:s7] =	ssyncadd.s32 $0xFFFF0000  }
.Ltmp1:
0x83: {  	_ =	swait.ge [sflag:s7], $0x10000;
	(pc) =	sbr.rel @p0 .LBB2_1-.Ltmp1, $4  }
0x84: {  	[sflag:s7] =	ssyncset.done $0x0  }
0x85: {  	[sflag:s7] =	ssyncadd.s32 $0xFFFF0000  }
0x86: {  	_ =	swait.ge [sflag:s7], $0x10000  }
0x87: {  	[sflag:s7] =	ssyncset.done $0x0  }
.LBB2_2:
0x88: {  	[sflag:s7] =	ssyncadd.s32 $0xFFFF0000  }
0x89: {  	_ =	sfence.sel $0x180000  }
0x8a: {  	[bflag:$0x0] =	sbarrier.arrive $0xFFFF  }
0x8b: {  	p0 =	sne.s32 s1, $0x0;
	_ =	strace $0x90000047  }
0x8c: {  	s0 =	sadd.s32 @!p0 $0x100000, s0;
	[bflag:$0x2] =	sbarrier.arrive $0xFFFF  }
0x8d: {  	[sflag:s0] =	ssyncadd.tile.s32 @!p0 $0x1;
	_ =	shalt  }
.Lfunc_end2:
_tile_overlayer_lowered:
.L_overlay_start_2:
0x8e: {  	(tag) =	ssettag $0x2  }
0x8f: {  	s0 =	rddreg [dreg:$0x0];
	s2 =	stileid.u32  }
0x90: {  	s1 =	rddreg [dreg:$0x1];
	p0 =	sne.s32 s2, $0x0  }
0x91: {  	s3 =	rddreg [dreg:$0x2];
	[bflag:$0x3] =	sbarrier.arrive $0xFFFF;
	s2 =	simm.s32 @!p0 $0x1C02  }
0x92: {  	[timem:s3], [sflag:s2] =	dma.local @!p0 [hbm:s0], s1  }
0x93: {  	s0 =	simm.s32 @!p0 $0x2  }
0x94: {  	_ =	swait.ge @!p0 [sflag:s0], s1  }
0x95: {  	s1 =	ssub.s32 @!p0 $0x0, s1;
	[sflag:s0] =	ssyncset.done @!p0 $0x0  }
0x96: {  	[sflag:s0] =	ssyncadd.s32 @!p0 s1  }
0x97: {  	[bflag:$0x3] =	sbarrier.arrive $0xFFFF  }
0x98: {  	_ =	shalt  }

</sc_bundles>
